<compile_context>
chip_gen: v7x
topology: tpu7x:2x2x1
jax: 0.10.2.dev20260603
libtpu: 0.0.44.dev20260713+nightly
codegen_flags: <defaults>
</compile_context>

<pallas_src>
import functools

import jax
import jax.numpy as jnp
from jax import lax
from jax.experimental import pallas as pl
from jax.experimental.pallas import tpu as pltpu
from jax.experimental.pallas import tpu_sc as plsc

E = 2048
NS = 16
L = 16
EDGES_PER_TILE = E // NS
NV = EDGES_PER_TILE // L


def _ncut_body(ei_hbm, w_hbm, out_hbm, fin_hbm, rows_v, cols_v, w_v,
               bins_v, acc_v, gat_v, res_v, sem_r, sem_c, sem_w):
    s = lax.axis_index("s")
    lane = lax.iota(jnp.int32, L)
    zero = jnp.zeros((L,), jnp.float32)

    base = s * EDGES_PER_TILE
    cp_r = pltpu.async_copy(ei_hbm.at[0, pl.ds(base, EDGES_PER_TILE)], rows_v, sem_r)
    cp_c = pltpu.async_copy(ei_hbm.at[1, pl.ds(base, EDGES_PER_TILE)], cols_v, sem_c)
    cp_w = pltpu.async_copy(w_hbm.at[pl.ds(base, EDGES_PER_TILE)], w_v, sem_w)

    def zrow(i, carry):
        bins_v[i, :] = zero
        return carry

    lax.fori_loop(0, L, zrow, 0)
    cp_r.wait()
    cp_c.wait()
    cp_w.wait()

    def step(j, carry):
        off = j * L
        r = rows_v[pl.ds(off, L)]
        cl = cols_v[pl.ds(off, L)]
        w = w_v[pl.ds(off, L)]
        kr = lax.shift_right_logical(r, 3)
        kc = lax.shift_right_logical(cl, 3)
        same = kr == kc
        plsc.addupdate_scatter(bins_v, [lane, kr], w, mask=jnp.logical_not(same))
        plsc.addupdate_scatter(bins_v, [lane, kc], jnp.where(same, w + w, w))
        plsc.addupdate_scatter(bins_v, [lane, kr + 8], w, mask=same)
        return carry

    lax.fori_loop(0, NV, step, 0)

    def rrow(i, t):
        return t + bins_v[i, :]

    part = lax.fori_loop(0, L, rrow, zero)
    acc_v[...] = part

    @pl.when(s != 0)
    def _publish():
        pltpu.sync_copy(acc_v, out_hbm.at[pl.ds(s * L, L)])

    plsc.subcore_barrier()

    @pl.when(s == 0)
    def _finalize():
        pltpu.sync_copy(out_hbm.at[pl.ds(L, (NS - 1) * L)], gat_v)
        total = part
        for i in range(NS - 1):
            total = total + gat_v[pl.ds(i * L, L)]
        res_v[...] = total
        num = 2.0 * plsc.load_gather(res_v, [jnp.bitwise_and(lane + 8, 15)])
        ratio = jnp.where(lane < 8, num / total, 0.0)
        out = 1.0 - jnp.sum(ratio) * 0.125
        acc_v[...] = jnp.where(lane == 0, out, 0.0)
        pltpu.sync_copy(acc_v.at[pl.ds(0, 1)], fin_hbm)


@functools.partial(
    pl.kernel,
    out_type=(jax.ShapeDtypeStruct((NS * L,), jnp.float32),
              jax.ShapeDtypeStruct((1,), jnp.float32)),
    mesh=plsc.VectorSubcoreMesh(core_axis_name="c", subcore_axis_name="s",
                                num_cores=1, num_subcores=16),
    scratch_types=[
        pltpu.VMEM((EDGES_PER_TILE,), jnp.int32),
        pltpu.VMEM((EDGES_PER_TILE,), jnp.int32),
        pltpu.VMEM((EDGES_PER_TILE,), jnp.float32),
        pltpu.VMEM((L, L), jnp.float32),
        pltpu.VMEM((L,), jnp.float32),
        pltpu.VMEM(((NS - 1) * L,), jnp.float32),
        pltpu.VMEM((L,), jnp.float32),
        pltpu.SemaphoreType.DMA,
        pltpu.SemaphoreType.DMA,
        pltpu.SemaphoreType.DMA,
    ],
    compiler_params=pltpu.CompilerParams(needs_layout_passes=False, use_tc_tiling_on_sc=False),
)
def _ncut_sc(ei_hbm, w_hbm, out_hbm, fin_hbm, rows_v, cols_v, w_v,
             bins_v, acc_v, gat_v, res_v, sem_r, sem_c, sem_w):
    _ncut_body(ei_hbm, w_hbm, out_hbm, fin_hbm, rows_v, cols_v, w_v,
               bins_v, acc_v, gat_v, res_v, sem_r, sem_c, sem_w)


def kernel(edge_index, weight):
    _, fin = _ncut_sc(edge_index, weight)
    return fin.reshape(())

# --- scband reference (transcript-rebuilt; emitter-appended) ---
"""Pipeline reference for scband-ncut-59158879535790 (READ-ONLY COPY).

The authoritative reference and input builder live on the scoring server;
editing this copy changes nothing except your own understanding.
"""

import jax, jax.numpy as jnp
import numpy as np


def _build_labels():
    # a = arange(8).unsqueeze(1).expand(8,8).reshape(-1) -> node n belongs to cluster n//8
    a = jnp.broadcast_to(jnp.arange(8)[:, None], (8, 8)).reshape(-1)
    labels = jax.nn.one_hot(a, 8, dtype=jnp.float32)  # [64, 8]
    return labels


def setup_inputs(seed: int = 0) -> dict:
    key = jax.random.key(seed)
    k1, k2 = jax.random.split(key)
    E = 2048
    edge_index = jax.random.randint(k1, (2, E), 0, 64, dtype=jnp.int32)
    weight = jax.random.uniform(k2, (E,), dtype=jnp.float32)
    return {"edge_index": edge_index, "weight": weight}


def reference(edge_index, weight):
    num_nodes = 64
    labels = _build_labels()            # [64, 8] one-hot cluster assignment buffer
    ones = jnp.ones(8, dtype=jnp.float32)

    row, col = edge_index[0], edge_index[1]
    # symmetrize edges
    row2 = jnp.concatenate([row, col], axis=0)
    col2 = jnp.concatenate([col, row], axis=0)
    w2 = jnp.concatenate([weight, weight], axis=0)

    # coalesce (dedup-sum) followed by spmm(A, labels) is equivalent to a
    # scatter-add over destination rows: (A @ labels)[i,c] = sum_{e: row=i} w_e * labels[col_e, c]
    msg = w2[:, None] * labels[col2]                      # gather + scale, [2E, 8]
    Al = jax.ops.segment_sum(msg, row2, num_segments=num_nodes)  # [64, 8]

    numerator = (Al.T * labels.T).sum(1)                  # [8]

    # deg = scatter_add(weight, row); spmm(diag_index, deg, labels) = deg[:,None]*labels
    deg = jax.ops.segment_sum(w2, row2, num_segments=num_nodes)  # [64]
    Dl = deg[:, None] * labels                            # [64, 8]
    denominator = (Dl.T * labels.T).sum(1)                # [8]

    return (ones - numerator / denominator).sum(0) / 8

if __name__ == "__main__":
    import jax
    _d = setup_inputs()
    print(jax.jit(kernel)(*tuple(_d.values())))

</pallas_src>

<mosaic_0001>
#map = affine_map<(d0, d1) -> (0, 0)>
#map1 = affine_map<(d0, d1) -> (0)>
module attributes {stable_mosaic.version = 14 : i64} {
  func.func @_ncut_sc(%arg0: i32, %arg1: i32, %arg2: memref<2x2048xi32, #tpu.memory_space<hbm>>, %arg3: memref<2048xf32, #tpu.memory_space<hbm>>, %arg4: memref<256xf32, #tpu.memory_space<hbm>>, %arg5: memref<1xf32, #tpu.memory_space<hbm>>, %arg6: memref<128xi32, #tpu.memory_space<vmem>>, %arg7: memref<128xi32, #tpu.memory_space<vmem>>, %arg8: memref<128xf32, #tpu.memory_space<vmem>>, %arg9: memref<16x16xf32, #tpu.memory_space<vmem>>, %arg10: memref<16xf32, #tpu.memory_space<vmem>>, %arg11: memref<240xf32, #tpu.memory_space<vmem>>, %arg12: memref<16xf32, #tpu.memory_space<vmem>>, %arg13: memref<!tpu.dma_semaphore, #tpu.memory_space<semaphore_mem>>, %arg14: memref<!tpu.dma_semaphore, #tpu.memory_space<semaphore_mem>>, %arg15: memref<!tpu.dma_semaphore, #tpu.memory_space<semaphore_mem>>) attributes {dimension_semantics = [#tpu.dimension_semantics<core_parallel>, #tpu.dimension_semantics<subcore_parallel>], iteration_bounds = array<i64: 1, 16>, scalar_prefetch = 0 : i64, scratch_operands = 10 : i64, tpu.core_type = #tpu.core_type<sc_vector_subcore>, window_params = [{transform_indices = #map}, {transform_indices = #map1}, {transform_indices = #map1}, {transform_indices = #map1}]} {
    %iota3A = tpu.iota {dimensions = array<i32: 0>} : vector<16xi32>
    %broadcast_in_dim3A = arith.constant 0.000000e+00 : f32
    %broadcast_in_dim3A_0 = vector.broadcast %broadcast_in_dim3A : f32 to vector<16xf32>
    %mul3A = arith.constant 128 : i32
    %mul3A_1 = arith.muli %arg1, %mul3A : i32
    %dma_start3A = arith.constant 0 : i32
    %dma_start3A_2 = tpu.memref_slice %arg2[%dma_start3A, %mul3A_1] : memref<2x2048xi32, #tpu.memory_space<hbm>> -> memref<1x128xi32, #tpu.memory_space<hbm>>
    %dma_start3A_3 = tpu.memref_squeeze %dma_start3A_2 : memref<1x128xi32, #tpu.memory_space<hbm>> -> memref<128xi32, #tpu.memory_space<hbm>>
    %dma_start3A_4 = tpu.memref_slice %arg2[%dma_start3A, %mul3A_1] : memref<2x2048xi32, #tpu.memory_space<hbm>> -> memref<1x128xi32, #tpu.memory_space<hbm>>
    %dma_start3A_5 = tpu.memref_squeeze %dma_start3A_4 : memref<1x128xi32, #tpu.memory_space<hbm>> -> memref<128xi32, #tpu.memory_space<hbm>>
    tpu.enqueue_dma source(%dma_start3A_5 : memref<128xi32, #tpu.memory_space<hbm>>) target(%arg6 : memref<128xi32, #tpu.memory_space<vmem>>) target_semaphore(%arg13 : memref<!tpu.dma_semaphore, #tpu.memory_space<semaphore_mem>>)
    %dma_start3A_6 = arith.constant 1 : i32
    %dma_start3A_7 = tpu.memref_slice %arg2[%dma_start3A_6, %mul3A_1] : memref<2x2048xi32, #tpu.memory_space<hbm>> -> memref<1x128xi32, #tpu.memory_space<hbm>>
    %dma_start3A_8 = tpu.memref_squeeze %dma_start3A_7 : memref<1x128xi32, #tpu.memory_space<hbm>> -> memref<128xi32, #tpu.memory_space<hbm>>
    %dma_start3A_9 = tpu.memref_slice %arg2[%dma_start3A_6, %mul3A_1] : memref<2x2048xi32, #tpu.memory_space<hbm>> -> memref<1x128xi32, #tpu.memory_space<hbm>>
    %dma_start3A_10 = tpu.memref_squeeze %dma_start3A_9 : memref<1x128xi32, #tpu.memory_space<hbm>> -> memref<128xi32, #tpu.memory_space<hbm>>
    tpu.enqueue_dma source(%dma_start3A_10 : memref<128xi32, #tpu.memory_space<hbm>>) target(%arg7 : memref<128xi32, #tpu.memory_space<vmem>>) target_semaphore(%arg14 : memref<!tpu.dma_semaphore, #tpu.memory_space<semaphore_mem>>)
    %dma_start3A_11 = tpu.memref_slice %arg3[%mul3A_1] : memref<2048xf32, #tpu.memory_space<hbm>> -> memref<128xf32, #tpu.memory_space<hbm>>
    %dma_start3A_12 = tpu.memref_slice %arg3[%mul3A_1] : memref<2048xf32, #tpu.memory_space<hbm>> -> memref<128xf32, #tpu.memory_space<hbm>>
    tpu.enqueue_dma source(%dma_start3A_12 : memref<128xf32, #tpu.memory_space<hbm>>) target(%arg8 : memref<128xf32, #tpu.memory_space<vmem>>) target_semaphore(%arg15 : memref<!tpu.dma_semaphore, #tpu.memory_space<semaphore_mem>>)
    %scan3A = arith.constant 0 : i32
    %scan3A_13 = arith.constant 0 : i32
    %scan3A_14 = arith.constant 16 : i32
    %scan3A_15 = arith.addi %scan3A_13, %scan3A_14 : i32
    %scan3A_16 = arith.constant 1 : i32
    scf.for %scan3A_48 = %scan3A_13 to %scan3A_15 step %scan3A_16  : i32 {
      %swap3A_49 = arith.index_cast %scan3A_48 : i32 to index
      %swap3A_50 = arith.constant 0 : index
      %swap3A_51 = tpu.vector_load %arg9[%swap3A_49, %swap3A_50] {strides = array<i32>} : memref<16x16xf32, #tpu.memory_space<vmem>>, vector<16xf32>,
      tpu.vector_store %arg9[%swap3A_49, %swap3A_50], %broadcast_in_dim3A_0 {strides = array<i32>} : memref<16x16xf32, #tpu.memory_space<vmem>>, vector<16xf32>,
    }
    %scan3A_17 = arith.constant 16 : i32
    %dma_wait3A = arith.constant 0 : i32
    %dma_wait3A_18 = tpu.memref_slice %arg2[%dma_wait3A, %mul3A_1] : memref<2x2048xi32, #tpu.memory_space<hbm>> -> memref<1x128xi32, #tpu.memory_space<hbm>>
    %dma_wait3A_19 = tpu.memref_squeeze %dma_wait3A_18 : memref<1x128xi32, #tpu.memory_space<hbm>> -> memref<128xi32, #tpu.memory_space<hbm>>
    %dma_wait3A_20 = tpu.memref_slice %arg2[%dma_wait3A, %mul3A_1] : memref<2x2048xi32, #tpu.memory_space<hbm>> -> memref<1x128xi32, #tpu.memory_space<hbm>>
    %dma_wait3A_21 = tpu.memref_squeeze %dma_wait3A_20 : memref<1x128xi32, #tpu.memory_space<hbm>> -> memref<128xi32, #tpu.memory_space<hbm>>
    tpu.wait_dma2 semaphore(%arg13 : memref<!tpu.dma_semaphore, #tpu.memory_space<semaphore_mem>>) src(%dma_wait3A_21 : memref<128xi32, #tpu.memory_space<hbm>>) dst(%arg6 : memref<128xi32, #tpu.memory_space<vmem>>)
    %dma_wait3A_22 = arith.constant 1 : i32
    %dma_wait3A_23 = tpu.memref_slice %arg2[%dma_wait3A_22, %mul3A_1] : memref<2x2048xi32, #tpu.memory_space<hbm>> -> memref<1x128xi32, #tpu.memory_space<hbm>>
    %dma_wait3A_24 = tpu.memref_squeeze %dma_wait3A_23 : memref<1x128xi32, #tpu.memory_space<hbm>> -> memref<128xi32, #tpu.memory_space<hbm>>
    %dma_wait3A_25 = tpu.memref_slice %arg2[%dma_wait3A_22, %mul3A_1] : memref<2x2048xi32, #tpu.memory_space<hbm>> -> memref<1x128xi32, #tpu.memory_space<hbm>>
    %dma_wait3A_26 = tpu.memref_squeeze %dma_wait3A_25 : memref<1x128xi32, #tpu.memory_space<hbm>> -> memref<128xi32, #tpu.memory_space<hbm>>
    tpu.wait_dma2 semaphore(%arg14 : memref<!tpu.dma_semaphore, #tpu.memory_space<semaphore_mem>>) src(%dma_wait3A_26 : memref<128xi32, #tpu.memory_space<hbm>>) dst(%arg7 : memref<128xi32, #tpu.memory_space<vmem>>)
    %dma_wait3A_27 = tpu.memref_slice %arg3[%mul3A_1] : memref<2048xf32, #tpu.memory_space<hbm>> -> memref<128xf32, #tpu.memory_space<hbm>>
    %dma_wait3A_28 = tpu.memref_slice %arg3[%mul3A_1] : memref<2048xf32, #tpu.memory_space<hbm>> -> memref<128xf32, #tpu.memory_space<hbm>>
    tpu.wait_dma2 semaphore(%arg15 : memref<!tpu.dma_semaphore, #tpu.memory_space<semaphore_mem>>) src(%dma_wait3A_28 : memref<128xf32, #tpu.memory_space<hbm>>) dst(%arg8 : memref<128xf32, #tpu.memory_space<vmem>>)
    %scan3A_29 = arith.constant 0 : i32
    %scan3A_30 = arith.constant 0 : i32
    %scan3A_31 = arith.constant 8 : i32
    %scan3A_32 = arith.addi %scan3A_30, %scan3A_31 : i32
    %scan3A_33 = arith.constant 1 : i32
    scf.for %scan3A_48 = %scan3A_30 to %scan3A_32 step %scan3A_33  : i32 {
      %mul3A_49 = arith.constant 16 : i32
      %mul3A_50 = arith.muli %scan3A_48, %mul3A_49 : i32
      %get3A = arith.index_cast %mul3A_50 : i32 to index
      %get3A_51 = tpu.vector_load %arg6[%get3A] {strides = array<i32>} : memref<128xi32, #tpu.memory_space<vmem>>, vector<16xi32>,
      %get3A_52 = arith.index_cast %mul3A_50 : i32 to index
      %get3A_53 = tpu.vector_load %arg7[%get3A_52] {strides = array<i32>} : memref<128xi32, #tpu.memory_space<vmem>>, vector<16xi32>,
      %get3A_54 = arith.index_cast %mul3A_50 : i32 to index
      %get3A_55 = tpu.vector_load %arg8[%get3A_54] {strides = array<i32>} : memref<128xf32, #tpu.memory_space<vmem>>, vector<16xf32>,
      %shift_right_logical3A = arith.constant 3 : i32
      %shift_right_logical3A_56 = vector.broadcast %shift_right_logical3A : i32 to vector<16xi32>
      %shift_right_logical3A_57 = arith.shrui %get3A_51, %shift_right_logical3A_56 : vector<16xi32>
      %shift_right_logical3A_58 = arith.constant 3 : i32
      %shift_right_logical3A_59 = vector.broadcast %shift_right_logical3A_58 : i32 to vector<16xi32>
      %shift_right_logical3A_60 = arith.shrui %get3A_53, %shift_right_logical3A_59 : vector<16xi32>
      %eq3A_61 = arith.cmpi eq, %shift_right_logical3A_57, %shift_right_logical3A_60 : vector<16xi32>
      %not3A = arith.constant dense<true> : vector<16xi1>
      %not3A_62 = arith.xori %eq3A_61, %not3A : vector<16xi1>
      tpu.vector_store_idx %arg9[%iota3A, %shift_right_logical3A_57], %get3A_55 masked %not3A_62 {add = true} : memref<16x16xf32, #tpu.memory_space<vmem>>[vector<16xi32>, vector<16xi32>], vector<16xf32>, vector<16xi1>
      %add3A = arith.addf %get3A_55, %get3A_55 : vector<16xf32>
      %select_n3A = arith.select %eq3A_61, %add3A, %get3A_55 : vector<16xi1>, vector<16xf32>
      tpu.vector_store_idx %arg9[%iota3A, %shift_right_logical3A_60], %select_n3A {add = true} : memref<16x16xf32, #tpu.memory_space<vmem>>[vector<16xi32>, vector<16xi32>], vector<16xf32>,
      %add3A_63 = arith.constant 8 : i32
      %add3A_64 = vector.broadcast %add3A_63 : i32 to vector<16xi32>
      %add3A_65 = arith.addi %shift_right_logical3A_57, %add3A_64 : vector<16xi32>
      tpu.vector_store_idx %arg9[%iota3A, %add3A_65], %get3A_55 masked %eq3A_61 {add = true} : memref<16x16xf32, #tpu.memory_space<vmem>>[vector<16xi32>, vector<16xi32>], vector<16xf32>, vector<16xi1>
    }
    %scan3A_34 = arith.constant 8 : i32
    %scan3A_35 = arith.constant 0 : i32
    %scan3A_36 = arith.constant 16 : i32
    %scan3A_37 = arith.addi %scan3A_35, %scan3A_36 : i32
    %scan3A_38 = arith.constant 1 : i32
    %scan3A_39 = scf.for %scan3A_48 = %scan3A_35 to %scan3A_37 step %scan3A_38 iter_args(%scan3A_49 = %broadcast_in_dim3A_0) -> (vector<16xf32>)  : i32 {
      %get3A = arith.index_cast %scan3A_48 : i32 to index
      %get3A_50 = arith.constant 0 : index
      %get3A_51 = tpu.vector_load %arg9[%get3A, %get3A_50] {strides = array<i32>} : memref<16x16xf32, #tpu.memory_space<vmem>>, vector<16xf32>,
      %add3A = arith.addf %scan3A_49, %get3A_51 : vector<16xf32>
      scf.yield %add3A : vector<16xf32>
    }
    %scan3A_40 = arith.constant 16 : i32
    %swap3A = arith.constant 0 : index
    %swap3A_41 = tpu.vector_load %arg10[%swap3A] {strides = array<i32>} : memref<16xf32, #tpu.memory_space<vmem>>, vector<16xf32>,
    tpu.vector_store %arg10[%swap3A], %scan3A_39 {strides = array<i32>} : memref<16xf32, #tpu.memory_space<vmem>>, vector<16xf32>,
    %ne3A = arith.constant 0 : i32
    %ne3A_42 = arith.cmpi ne, %arg1, %ne3A : i32
    %convert_element_type3A = arith.extui %ne3A_42 : i1 to i32
    %cond3A = arith.constant 0 : i32
    %cond3A_43 = arith.cmpi ne, %convert_element_type3A, %cond3A : i32
    scf.if %cond3A_43 {
      %mul3A_48 = arith.constant 16 : i32
      %mul3A_49 = arith.muli %arg1, %mul3A_48 : i32
      "tpu.region"() ({
        %run_scoped3A = tpu.sem_alloc : memref<!tpu.dma_semaphore, #tpu.memory_space<semaphore_mem>>
        %dma_start3A_50 = tpu.memref_slice %arg4[%mul3A_49] : memref<256xf32, #tpu.memory_space<hbm>> -> memref<16xf32, #tpu.memory_space<hbm>>
        %dma_start3A_51 = tpu.memref_slice %arg4[%mul3A_49] : memref<256xf32, #tpu.memory_space<hbm>> -> memref<16xf32, #tpu.memory_space<hbm>>
        tpu.enqueue_dma source(%arg10 : memref<16xf32, #tpu.memory_space<vmem>>) target(%dma_start3A_51 : memref<16xf32, #tpu.memory_space<hbm>>) target_semaphore(%run_scoped3A : memref<!tpu.dma_semaphore, #tpu.memory_space<semaphore_mem>>)
        %dma_wait3A_52 = tpu.memref_slice %arg4[%mul3A_49] : memref<256xf32, #tpu.memory_space<hbm>> -> memref<16xf32, #tpu.memory_space<hbm>>
        %dma_wait3A_53 = tpu.memref_slice %arg4[%mul3A_49] : memref<256xf32, #tpu.memory_space<hbm>> -> memref<16xf32, #tpu.memory_space<hbm>>
        tpu.wait_dma2 semaphore(%run_scoped3A : memref<!tpu.dma_semaphore, #tpu.memory_space<semaphore_mem>>) src(%arg10 : memref<16xf32, #tpu.memory_space<vmem>>) dst(%dma_wait3A_53 : memref<16xf32, #tpu.memory_space<hbm>>)
        tpu.yield
      }) : () -> ()
    } else {
    }
    %barrier3A = arith.constant 0 : index
    tpu.barrier barrier_id(%barrier3A)
    %eq3A = arith.constant 0 : i32
    %eq3A_44 = arith.cmpi eq, %arg1, %eq3A : i32
    %convert_element_type3A_45 = arith.extui %eq3A_44 : i1 to i32
    %cond3A_46 = arith.constant 0 : i32
    %cond3A_47 = arith.cmpi ne, %convert_element_type3A_45, %cond3A_46 : i32
    scf.if %cond3A_47 {
      "tpu.region"() ({
        %run_scoped3A = tpu.sem_alloc : memref<!tpu.dma_semaphore, #tpu.memory_space<semaphore_mem>>
        %dma_start3A_119 = arith.constant 16 : i32
        %dma_start3A_120 = tpu.memref_slice %arg4[%dma_start3A_119] : memref<256xf32, #tpu.memory_space<hbm>> -> memref<240xf32, #tpu.memory_space<hbm>>
        %dma_start3A_121 = arith.constant 16 : i32
        %dma_start3A_122 = tpu.memref_slice %arg4[%dma_start3A_121] : memref<256xf32, #tpu.memory_space<hbm>> -> memref<240xf32, #tpu.memory_space<hbm>>
        tpu.enqueue_dma source(%dma_start3A_122 : memref<240xf32, #tpu.memory_space<hbm>>) target(%arg11 : memref<240xf32, #tpu.memory_space<vmem>>) target_semaphore(%run_scoped3A : memref<!tpu.dma_semaphore, #tpu.memory_space<semaphore_mem>>)
        %dma_wait3A_123 = arith.constant 16 : i32
        %dma_wait3A_124 = tpu.memref_slice %arg4[%dma_wait3A_123] : memref<256xf32, #tpu.memory_space<hbm>> -> memref<240xf32, #tpu.memory_space<hbm>>
        %dma_wait3A_125 = arith.constant 16 : i32
        %dma_wait3A_126 = tpu.memref_slice %arg4[%dma_wait3A_125] : memref<256xf32, #tpu.memory_space<hbm>> -> memref<240xf32, #tpu.memory_space<hbm>>
        tpu.wait_dma2 semaphore(%run_scoped3A : memref<!tpu.dma_semaphore, #tpu.memory_space<semaphore_mem>>) src(%dma_wait3A_126 : memref<240xf32, #tpu.memory_space<hbm>>) dst(%arg11 : memref<240xf32, #tpu.memory_space<vmem>>)
        tpu.yield
      }) : () -> ()
      %get3A = arith.constant 0 : index
      %get3A_48 = tpu.vector_load %arg11[%get3A] {strides = array<i32>} : memref<240xf32, #tpu.memory_space<vmem>>, vector<16xf32>,
      %add3A = arith.addf %scan3A_39, %get3A_48 : vector<16xf32>
      %get3A_49 = arith.constant 16 : index
      %get3A_50 = tpu.vector_load %arg11[%get3A_49] {strides = array<i32>} : memref<240xf32, #tpu.memory_space<vmem>>, vector<16xf32>,
      %add3A_51 = arith.addf %add3A, %get3A_50 : vector<16xf32>
      %get3A_52 = arith.constant 32 : index
      %get3A_53 = tpu.vector_load %arg11[%get3A_52] {strides = array<i32>} : memref<240xf32, #tpu.memory_space<vmem>>, vector<16xf32>,
      %add3A_54 = arith.addf %add3A_51, %get3A_53 : vector<16xf32>
      %get3A_55 = arith.constant 48 : index
      %get3A_56 = tpu.vector_load %arg11[%get3A_55] {strides = array<i32>} : memref<240xf32, #tpu.memory_space<vmem>>, vector<16xf32>,
      %add3A_57 = arith.addf %add3A_54, %get3A_56 : vector<16xf32>
      %get3A_58 = arith.constant 64 : index
      %get3A_59 = tpu.vector_load %arg11[%get3A_58] {strides = array<i32>} : memref<240xf32, #tpu.memory_space<vmem>>, vector<16xf32>,
      %add3A_60 = arith.addf %add3A_57, %get3A_59 : vector<16xf32>
      %get3A_61 = arith.constant 80 : index
      %get3A_62 = tpu.vector_load %arg11[%get3A_61] {strides = array<i32>} : memref<240xf32, #tpu.memory_space<vmem>>, vector<16xf32>,
      %add3A_63 = arith.addf %add3A_60, %get3A_62 : vector<16xf32>
      %get3A_64 = arith.constant 96 : index
      %get3A_65 = tpu.vector_load %arg11[%get3A_64] {strides = array<i32>} : memref<240xf32, #tpu.memory_space<vmem>>, vector<16xf32>,
      %add3A_66 = arith.addf %add3A_63, %get3A_65 : vector<16xf32>
      %get3A_67 = arith.constant 112 : index
      %get3A_68 = tpu.vector_load %arg11[%get3A_67] {strides = array<i32>} : memref<240xf32, #tpu.memory_space<vmem>>, vector<16xf32>,
      %add3A_69 = arith.addf %add3A_66, %get3A_68 : vector<16xf32>
      %get3A_70 = arith.constant 128 : index
      %get3A_71 = tpu.vector_load %arg11[%get3A_70] {strides = array<i32>} : memref<240xf32, #tpu.memory_space<vmem>>, vector<16xf32>,
      %add3A_72 = arith.addf %add3A_69, %get3A_71 : vector<16xf32>
      %get3A_73 = arith.constant 144 : index
      %get3A_74 = tpu.vector_load %arg11[%get3A_73] {strides = array<i32>} : memref<240xf32, #tpu.memory_space<vmem>>, vector<16xf32>,
      %add3A_75 = arith.addf %add3A_72, %get3A_74 : vector<16xf32>
      %get3A_76 = arith.constant 160 : index
      %get3A_77 = tpu.vector_load %arg11[%get3A_76] {strides = array<i32>} : memref<240xf32, #tpu.memory_space<vmem>>, vector<16xf32>,
      %add3A_78 = arith.addf %add3A_75, %get3A_77 : vector<16xf32>
      %get3A_79 = arith.constant 176 : index
      %get3A_80 = tpu.vector_load %arg11[%get3A_79] {strides = array<i32>} : memref<240xf32, #tpu.memory_space<vmem>>, vector<16xf32>,
      %add3A_81 = arith.addf %add3A_78, %get3A_80 : vector<16xf32>
      %get3A_82 = arith.constant 192 : index
      %get3A_83 = tpu.vector_load %arg11[%get3A_82] {strides = array<i32>} : memref<240xf32, #tpu.memory_space<vmem>>, vector<16xf32>,
      %add3A_84 = arith.addf %add3A_81, %get3A_83 : vector<16xf32>
      %get3A_85 = arith.constant 208 : index
      %get3A_86 = tpu.vector_load %arg11[%get3A_85] {strides = array<i32>} : memref<240xf32, #tpu.memory_space<vmem>>, vector<16xf32>,
      %add3A_87 = arith.addf %add3A_84, %get3A_86 : vector<16xf32>
      %get3A_88 = arith.constant 224 : index
      %get3A_89 = tpu.vector_load %arg11[%get3A_88] {strides = array<i32>} : memref<240xf32, #tpu.memory_space<vmem>>, vector<16xf32>,
      %add3A_90 = arith.addf %add3A_87, %get3A_89 : vector<16xf32>
      %swap3A_91 = arith.constant 0 : index
      %swap3A_92 = tpu.vector_load %arg12[%swap3A_91] {strides = array<i32>} : memref<16xf32, #tpu.memory_space<vmem>>, vector<16xf32>,
      tpu.vector_store %arg12[%swap3A_91], %add3A_90 {strides = array<i32>} : memref<16xf32, #tpu.memory_space<vmem>>, vector<16xf32>,
      %add3A_93 = arith.constant 8 : i32
      %add3A_94 = vector.broadcast %add3A_93 : i32 to vector<16xi32>
      %add3A_95 = arith.addi %iota3A, %add3A_94 : vector<16xi32>
      %and3A = arith.constant 15 : i32
      %and3A_96 = vector.broadcast %and3A : i32 to vector<16xi32>
      %and3A_97 = arith.andi %add3A_95, %and3A_96 : vector<16xi32>
      %gather3A = tpu.vector_load_idx %arg12[%and3A_97] : memref<16xf32, #tpu.memory_space<vmem>>[vector<16xi32>], vector<16xf32>,
      %mul3A_98 = arith.constant 2.000000e+00 : f32
      %mul3A_99 = vector.broadcast %mul3A_98 : f32 to vector<16xf32>
      %mul3A_100 = arith.mulf %mul3A_99, %gather3A : vector<16xf32>
      %lt3A = arith.constant 8 : i32
      %lt3A_101 = vector.broadcast %lt3A : i32 to vector<16xi32>
      %lt3A_102 = arith.cmpi slt, %iota3A, %lt3A_101 : vector<16xi32>
      %div3A = arith.divf %mul3A_100, %add3A_90 : vector<16xf32>
      %jit3A = arith.constant 0.000000e+00 : f32
      %broadcast_in_dim3A_103 = vector.broadcast %jit3A : f32 to vector<16xf32>
      %select_n3A = arith.select %lt3A_102, %div3A, %broadcast_in_dim3A_103 : vector<16xi1>, vector<16xf32>
      %reduce_sum3A = arith.constant true
      %reduce_sum3A_104 = vector.broadcast %reduce_sum3A : i1 to vector<16xi1>
      %reduce_sum3A_105 = tpu.scan <sum>, %select_n3A masked %reduce_sum3A_104 : vector<16xf32>, vector<16xi1> -> vector<16xf32>
      %reduce_sum3A_106 = vector.extract %reduce_sum3A_105[15] : f32 from vector<16xf32>
      %mul3A_107 = arith.constant 1.250000e-01 : f32
      %mul3A_108 = arith.mulf %reduce_sum3A_106, %mul3A_107 : f32
      %sub3A = arith.constant 1.000000e+00 : f32
      %sub3A_109 = arith.subf %sub3A, %mul3A_108 : f32
      %eq3A_110 = arith.constant 0 : i32
      %eq3A_111 = vector.broadcast %eq3A_110 : i32 to vector<16xi32>
      %eq3A_112 = arith.cmpi eq, %iota3A, %eq3A_111 : vector<16xi32>
      %jit3A_113 = arith.constant 0.000000e+00 : f32
      %broadcast_in_dim3A_114 = vector.broadcast %sub3A_109 : f32 to vector<16xf32>
      %broadcast_in_dim3A_115 = vector.broadcast %jit3A_113 : f32 to vector<16xf32>
      %select_n3A_116 = arith.select %eq3A_112, %broadcast_in_dim3A_114, %broadcast_in_dim3A_115 : vector<16xi1>, vector<16xf32>
      %swap3A_117 = arith.constant 0 : index
      %swap3A_118 = tpu.vector_load %arg10[%swap3A_117] {strides = array<i32>} : memref<16xf32, #tpu.memory_space<vmem>>, vector<16xf32>,
      tpu.vector_store %arg10[%swap3A_117], %select_n3A_116 {strides = array<i32>} : memref<16xf32, #tpu.memory_space<vmem>>, vector<16xf32>,
      "tpu.region"() ({
        %run_scoped3A = tpu.sem_alloc : memref<!tpu.dma_semaphore, #tpu.memory_space<semaphore_mem>>
        %dma_start3A_119 = arith.constant 0 : i32
        %dma_start3A_120 = tpu.memref_slice %arg10[%dma_start3A_119] : memref<16xf32, #tpu.memory_space<vmem>> -> memref<1xf32, #tpu.memory_space<vmem>>
        %dma_start3A_121 = arith.constant 0 : i32
        %dma_start3A_122 = tpu.memref_slice %arg10[%dma_start3A_121] : memref<16xf32, #tpu.memory_space<vmem>> -> memref<1xf32, #tpu.memory_space<vmem>>
        tpu.enqueue_dma source(%dma_start3A_122 : memref<1xf32, #tpu.memory_space<vmem>>) target(%arg5 : memref<1xf32, #tpu.memory_space<hbm>>) target_semaphore(%run_scoped3A : memref<!tpu.dma_semaphore, #tpu.memory_space<semaphore_mem>>)
        %dma_wait3A_123 = arith.constant 0 : i32
        %dma_wait3A_124 = tpu.memref_slice %arg10[%dma_wait3A_123] : memref<16xf32, #tpu.memory_space<vmem>> -> memref<1xf32, #tpu.memory_space<vmem>>
        %dma_wait3A_125 = arith.constant 0 : i32
        %dma_wait3A_126 = tpu.memref_slice %arg10[%dma_wait3A_125] : memref<16xf32, #tpu.memory_space<vmem>> -> memref<1xf32, #tpu.memory_space<vmem>>
        tpu.wait_dma2 semaphore(%run_scoped3A : memref<!tpu.dma_semaphore, #tpu.memory_space<semaphore_mem>>) src(%dma_wait3A_126 : memref<1xf32, #tpu.memory_space<vmem>>) dst(%arg5 : memref<1xf32, #tpu.memory_space<hbm>>)
        tpu.yield
      }) : () -> ()
    } else {
    }
    return
  }
}

</mosaic_0001>

<sc_bundles>
// kernel: kernel.3.cloned.1.call-start
scs
__scs_entry_jumppad:
0x0: {  	(pc) =	sbr.rel $0x88, $3  }
0x1: {  	(tag) =	ssettag $0x0;
	lr =	simm.s32 $0x1  }
0x2: {  	[smem:$0x3F9F] =	sst lr;
	_ =	strace $0xD0000000  }
0x3: {  	_ = 	snop  }
0x4: {  	_ = 	snop  }
0x5: {  	_ = 	snop  }
0x6: {  	_ = 	snop  }
0x7: {  	_ = 	snop  }
__scs_overlays_trampoline_lowered:
0x8: {  	[smem:$0x3FAE] =	sst s0  }
0x9: {  	[smem:$0x3FAF] =	sst s1  }
0xa: {  	[smem:$0x3FB0] =	sst s2  }
0xb: {  	[smem:$0x3FB1] =	sst s3  }
0xc: {  	[smem:$0x3FB2] =	sst s4  }
0xd: {  	[smem:$0x3FB3] =	sst s5  }
0xe: {  	[smem:$0x3FB4] =	sst s6  }
0xf: {  	[smem:$0x3FB5] =	sst s7  }
0x10: {  	[smem:$0x3FB6] =	sst s8  }
0x11: {  	[smem:$0x3FB7] =	sst s9;
	s0 =	simm.s32 @!p0 $0x0  }
0x12: {  	s1 =	sld [smem:$0x3F9D];
	s0 =	simm.s32 @p0 $0x1  }
0x13: {  	[smem:$0x3FB8] =	sst s0;
	s0 =	simm.s32 @!p1 $0x0  }
0x14: {  	s2 =	sld [smem:$0x3F9C];
	s0 =	simm.s32 @p1 $0x1  }
0x15: {  	[smem:$0x3FB9] =	sst s0;
	s0 =	simm.s32 @!p2 $0x0  }
0x16: {  	s3 =	sld [smem:$0x3FDB];
	s0 =	simm.s32 @p2 $0x1  }
0x17: {  	s4 =	simm.s32 $0x1BF5;
	[smem:$0x3FBB] =	sst s0  }
0x18: {  	s0 =	sld [smem:$0x3F9E];
	_ =	swait.ge [sflag:s4], $0x0  }
0x19: {  	s7 =	sld [smem:$0x3F9F]  }
0x1a: {  	s8 =	sadd.s32 $0xFFFFE003, lr  }
0x1b: {  	s9 =	sadd.s32 $0xFFFFFEF7, lr;
	s5 =	simm.s32 $0xFFFFFFFF;
	p2 =	slt.u32 s8, $0xFFFFF086  }
0x1c: {  	p1 =	slt.u32 s9, $0xF7A;
	s5 =	simm.s32 @!p2 $0x0  }
0x1d: {  	s5 =	simm.s32 @p1 $0x1;
	p0 =	seq.s32 s7, s2  }
0x1e: {  	s7 =	smul.u32 @!p0 $0xF7A, s2;
	p2 =	seq.s32 @!p0 s5, $0x0  }
0x1f: {  	s9 =	smul.u32 $0xF7A, s1;
	s8 =	simm.s32 @!p0 $0x1BF5;
	p2 =	por !p2, p0  }
0x20: {  	[sflag:s8] =	ssyncset.s32 @!p0 $0xFFFFF086;
	s6 =	sadd.s32 @!p0 s3, s7;
	s7 =	simm.s32 @!p0 $0x108  }
0x21: {  	s3 =	sadd.s32 s3, s9;
	s6 =	sadd.s32 @!p0 $0x88, s6;
	s7 =	simm.s32 @p2 $0x1082  }
0x22: {  	[simem:s7], [sflag:s8] =	dma.local @!p0 [hbm:s6], $0xF7A  }
0x23: {  	s9 =	sor.u32 $0xD0000000, s2;
	s6 =	simm.s32 $0x108;
	_ =	swait.ge @!p0 [sflag:s8], $0x0  }
0x24: {  	s3 =	sadd.s32 $0x88, s3;
	s6 =	simm.s32 @!p1 $0x1082;
	[sflag:s4] =	ssyncset.s32 $0xFFFFF086  }
0x25: {  	[simem:s6], [sflag:s4] =	dma.local [hbm:s3], $0xF7A  }
0x26: {  	[smem:$0x3F9F] =	sst s1;
	(tag) =	ssettag s2;
	_ =	strace s9  }
0x27: {  	s1 =	sld [smem:$0x3FAF]  }
0x28: {  	s2 =	sld [smem:$0x3FB0]  }
0x29: {  	s4 =	sld [smem:$0x3FB2]  }
0x2a: {  	p0 =	seq.s32 s5, $0x0;
	s5 =	sld [smem:$0x3FB3]  }
0x2b: {  	s6 =	sld [smem:$0x3FB4]  }
0x2c: {  	s7 =	sld [smem:$0x3FB5]  }
0x2d: {  	s3 =	simm.s32 $0x108;
	s8 =	sld [smem:$0x3FB6]  }
0x2e: {  	s3 =	simm.s32 @!p0 $0x1082;
	s9 =	sld [smem:$0x3FB7]  }
0x2f: {  	lr =	sadd.s32 s0, s3;
	s0 =	sld [smem:$0x3FAE]  }
0x30: {  	s3 =	sld [smem:$0x3FB1]  }
0x31: {  	[smem:$0x3FBA] =	sst s10  }
0x32: {  	s10 =	sld [smem:$0x3FB8];
	_ =	sdelay $0x3  }
0x33: {  	p0 =	seq.s32 s10, $0x1;
	s10 =	sld [smem:$0x3FBA];
	_ =	sdelay $0x3  }
0x34: {  	[smem:$0x3FBA] =	sst s10  }
0x35: {  	s10 =	sld [smem:$0x3FB9];
	_ =	sdelay $0x3  }
0x36: {  	p1 =	seq.s32 s10, $0x1;
	s10 =	sld [smem:$0x3FBA];
	_ =	sdelay $0x3  }
0x37: {  	[smem:$0x3FBA] =	sst s10  }
0x38: {  	s10 =	sld [smem:$0x3FBB]  }
0x39: {  	_ = 	snop;
	(pc) =	sbr.ind lr, $3  }
0x3a: {  	_ = 	snop  }
0x3b: {  	_ = 	snop  }
0x3c: {  	p2 =	seq.s32 s10, $0x1;
	s10 =	sld [smem:$0x3FBA]  }
0x3d: {  	_ =	shalt  }
0x3e: {  	_ =	shalt  }
0x3f: {  	_ =	shalt  }
0x40: {  	_ =	shalt  }
0x41: {  	_ =	shalt  }
0x42: {  	_ =	shalt  }
0x43: {  	_ =	shalt  }
0x44: {  	_ =	shalt  }
0x45: {  	_ =	shalt  }
0x46: {  	_ =	shalt  }
0x47: {  	_ =	shalt  }
0x48: {  	_ =	shalt  }
0x49: {  	_ =	shalt  }
0x4a: {  	_ =	shalt  }
0x4b: {  	_ =	shalt  }
0x4c: {  	_ =	shalt  }
0x4d: {  	_ =	shalt  }
0x4e: {  	_ =	shalt  }
0x4f: {  	_ =	shalt  }
0x50: {  	_ =	shalt  }
0x51: {  	_ =	shalt  }
0x52: {  	_ =	shalt  }
0x53: {  	_ =	shalt  }
0x54: {  	_ =	shalt  }
0x55: {  	_ =	shalt  }
0x56: {  	_ =	shalt  }
0x57: {  	_ =	shalt  }
0x58: {  	_ =	shalt  }
0x59: {  	_ =	shalt  }
0x5a: {  	_ =	shalt  }
0x5b: {  	_ =	shalt  }
0x5c: {  	_ =	shalt  }
0x5d: {  	_ =	shalt  }
0x5e: {  	_ =	shalt  }
0x5f: {  	_ =	shalt  }
0x60: {  	_ =	shalt  }
0x61: {  	_ =	shalt  }
0x62: {  	_ =	shalt  }
0x63: {  	_ =	shalt  }
0x64: {  	_ =	shalt  }
0x65: {  	_ =	shalt  }
0x66: {  	_ =	shalt  }
0x67: {  	_ =	shalt  }
0x68: {  	_ =	shalt  }
0x69: {  	_ =	shalt  }
0x6a: {  	_ =	shalt  }
0x6b: {  	_ =	shalt  }
0x6c: {  	_ =	shalt  }
0x6d: {  	_ =	shalt  }
0x6e: {  	_ =	shalt  }
0x6f: {  	_ =	shalt  }
0x70: {  	_ =	shalt  }
0x71: {  	_ =	shalt  }
0x72: {  	_ =	shalt  }
0x73: {  	_ =	shalt  }
0x74: {  	_ =	shalt  }
0x75: {  	_ =	shalt  }
0x76: {  	_ =	shalt  }
0x77: {  	_ =	shalt  }
0x78: {  	_ =	shalt  }
0x79: {  	_ =	shalt  }
0x7a: {  	_ =	shalt  }
0x7b: {  	_ =	shalt  }
0x7c: {  	_ =	shalt  }
0x7d: {  	_ =	shalt  }
0x7e: {  	_ =	shalt  }
0x7f: {  	_ =	shalt  }
0x80: {  	_ =	shalt  }
0x81: {  	_ =	shalt  }
0x82: {  	_ =	shalt  }
0x83: {  	_ =	shalt  }
0x84: {  	_ =	shalt  }
0x85: {  	_ =	shalt  }
0x86: {  	_ =	shalt  }
0x87: {  	_ =	shalt  }
.Lfunc_end0:
.L_simem_size_0:
called_computation_lowered:
.L_overlay_start_0:
0x88: {  	s0 =	sld [smem:$0x3FD9]  }
0x89: {  	s1 =	sld [smem:$0x3FFE];
	_ =	sdelay $0x3  }
0x8a: {  	s0 =	sadd.s32 s1, s0  }
0x8b: {  	[smem:$0x3FC6] =	sst s0  }
0x8c: {  	_ = 	snop  }
0x8d: {  	s0 =	sld [smem:$0x3FC8]  }
0x8e: {  	s16 =	sld [smem:$0x3FD0];
	(tm) =	ssettm $0x1  }
0x8f: {  	s2 =	sld [smem:$0x3FFB];
	_ =	sdelay $0x3  }
0x90: {  	_ =	strace s2  }
0x91: {  	s2 =	sld [smem:$0x3FFC];
	_ =	sdelay $0x3  }
0x92: {  	_ =	strace s2  }
0x93: {  	s2 =	sld [smem:$0x3FFD];
	_ =	sdelay $0x3  }
0x94: {  	_ =	strace s2  }
0x95: {  	_ =	strace $0x8FFFFFFF  }
0x96: {  	s17 =	sld [smem:$0x3FDB];
	_ =	sdelay $0x1  }
0x97: {  	s3 =	simm.s32 $_scs_section_size  }
0x98: {  	s4 =	simm.s32 $_size__tile_overlayer_lowered;
	s5 =	simm.s32 $_tile_overlayer_lowered  }
0x99: {  	s20 =	simm.s32 $0x1BFF;
	s19 =	sshll.u32 s5, $0x1;
	s2 =	sadd.s32 s3, s17  }
0x9a: {  	s6 =	simm.s32 $0x0;
	s18 =	sshll.u32 s4, $0x1;
	s4 =	sadd.s32 s19, s2  }
0x9b: {  	[timem:s6], [sflag:s20] =	dma.local [hbm:s4], s18  }
0x9c: {  	_ =	swait.ge [sflag:s20], s18  }
0x9d: {  	s3 =	ssub.s32 $0x0, s18;
	[sflag:s20] =	ssyncset.done $0x0  }
0x9e: {  	[sflag:s20] =	ssyncadd.s32 s3;
	_ =	sdelay $0x1  }
0x9f: {  	s21 =	simm.s32 $0x1B8B  }
0xa0: {  	_ =	swait.ge [sflag:s21], $0x1  }
0xa1: {  	[sflag:s21] =	ssyncset.done $0x0  }
0xa2: {  	s23 =	simm.s32 $0x1B8E;
	s22 =	sld [smem:$0x3FFE];
	[sflag:s21] =	ssyncadd.s32 $0xFFFFFFFF  }
0xa3: {  	s24 =	simm.s32 $execute0_lowered;
	[smem:$0x3FD2] =	sst s23  }
0xa4: {  	s4 =	sshll.u32 s24, $0x1;
	_ =	strace $0x80000046;
	[dreg:$0x1] =	wrdreg $0xFFFFFFFF  }
0xa5: {  	s25 =	simm.s32 $_size_execute0_lowered;
	s2 =	sadd.s32 s2, s4;
	[dreg:$0x0] =	wrdreg $0x0  }
0xa6: {  	s4 =	sshll.u32 s25, $0x1;
	[dreg:$0x2] =	wrdreg s2  }
0xa7: {  	[dreg:$0x3] =	wrdreg s4  }
0xa8: {  	[dreg:$0x4] =	wrdreg $0xC0  }
0xa9: {  	_ =	task [dreg:s6], $0x5FFFF  }
0xaa: {  	[dreg:$0x1] =	wrdreg $0xFFFFFFFF  }
0xab: {  	[dreg:$0x0] =	wrdreg $0x60  }
0xac: {  	[dreg:$0x2] =	wrdreg s22  }
0xad: {  	[dreg:$0x3] =	wrdreg s0  }
0xae: {  	[dreg:$0x4] =	wrdreg s16  }
0xaf: {  	[dreg:$0x5] =	wrdreg $0x9  }
0xb0: {  	_ =	task.clear_ibuf [dreg:s6], $0x6FFFF;
	_ =	strace $0x90000046  }
0xb1: {  	s26 =	simm.s32 $0x9;
	_ =	strace $0x80000048  }
0xb2: {  	_ =	swait.ge [sflag:s26], $0x1  }
0xb3: {  	[sflag:s26] =	ssyncadd.s32 $0xFFFFFFFF  }
0xb4: {  	_ =	strace $0x90000048  }
0xb5: {  	_ =	sfence  }
0xb6: {  	s28 =	sld [smem:$0x0];
	_ =	sdelay $0x1  }
0xb7: {  	s29 =	srdreg.scid  }
0xb8: {  	s30 =	sshll.u32 s29, $0xD;
	s31 =	sshrl.u32 s29, $0x2  }
0xb9: {  	s1 =	sand.u32 $0x1, s29;
	s2 =	sand.u32 $0x4000, s30;
	s0 =	sadd.s32 s31, s28  }
0xba: {  	s1 =	sor.u32 s2, s1;
	s0 =	sshll.u32 s0, $0x11  }
0xbb: {  	s0 =	sor.u32 s0, s1  }
0xbc: {  	s0 =	sadd.s32 $0x8F2B, s0  }
0xbd: {  	[sflag:s0] =	ssyncadd.remote.s32 $0x1  }
0xbe: {  	_ =	sfence.sel $0xFFFF  }
0xbf: {  	[dreg:$0x0] =	wrdreg $0xFFFFFFFF;
	(pc) =	sbr.abs _section_cstart, $3  }
0xc0: {  	[dreg:$0x1] =	wrdreg $0xFFFFFFFF  }
0xc1: {  	_ =	task.clear_ibuf [dreg:s6], $0x2FFFF;
	_ =	strace $0x9FFFFFFF  }
0xc2: {  	(tm) =	ssettm $0x7FFFFFFF  }
0xc3: {  	_ =	shalt  }
tec
execute0_lowered:
.L_overlay_start_1:
0x0: {  	(tag) =	ssettag $0x1  }
0x1: {  	s4 =	rddreg [dreg:$0x0]  }
0x2: {  	s5 =	rddreg [dreg:$0x1];
	s1 =	stileid.u32  }
0x3: {  	s3 =	rddreg [dreg:$0x2];
	s2 =	simm.s32 $0x0;
	s6 =	sshll.u32 s1, $0x4  }
0x4: {  	[smem:$0x7FF] =	sst s2;
	s7 =	sadd.s32 s6, s4  }
0x5: {  	s0 =	rddreg [dreg:$0x3];
	_ =	strace $0x80000047;
	s8 =	sadd.s32 $0x800, s7  }
0x6: {  	[tilespmem:s2], [sflag:$0x1] =	stream.linear.gather [hbm4b:s8+s2], $0x80, $0x38;
	[tilespmem:$0x390] =	vst v63  }
0x7: {  	s25 =	simm.s32 $0x80;
	s7 =	sadd.s32 $0x900, s7  }
0x8: {  	[tilespmem:s25], [sflag:$0x2] =	stream.linear.gather [hbm4b:s7+s2], $0x80, $0x38;
	[tilespmem:$0x390] =	vst v63  }
0x9: {  	s26 =	simm.s32 $0x100;
	s5 =	sadd.s32 s5, s6  }
0xa: {  	v0 =	vimm.f32 $0.0e+00;
	[tilespmem:s26], [sflag:$0x3] =	stream.linear.gather [hbm4b:s5+s2], $0x80, $0x38;
	[tilespmem:$0x390] =	vst v63  }
0xb: {  	[tilespmem:$0x180] =	vst v0  }
0xc: {  	[tilespmem:$0x190] =	vst v0  }
0xd: {  	[tilespmem:$0x1A0] =	vst v0  }
0xe: {  	[tilespmem:$0x1B0] =	vst v0  }
0xf: {  	[tilespmem:$0x1C0] =	vst v0  }
0x10: {  	[tilespmem:$0x1D0] =	vst v0  }
0x11: {  	[tilespmem:$0x1E0] =	vst v0  }
0x12: {  	[tilespmem:$0x1F0] =	vst v0  }
0x13: {  	[tilespmem:$0x200] =	vst v0  }
0x14: {  	[tilespmem:$0x210] =	vst v0  }
0x15: {  	[tilespmem:$0x220] =	vst v0  }
0x16: {  	[tilespmem:$0x230] =	vst v0  }
0x17: {  	[tilespmem:$0x240] =	vst v0  }
0x18: {  	[tilespmem:$0x250] =	vst v0  }
0x19: {  	[tilespmem:$0x260] =	vst v0  }
0x1a: {  	s28 =	simm.s32 $0x1;
	[tilespmem:$0x270] =	vst v0  }
0x1b: {  	_ =	swait.ge [sflag:s28], $0x80  }
0x1c: {  	[sflag:s28] =	ssyncset.done $0x0  }
0x1d: {  	s29 =	simm.s32 $0x2;
	[sflag:s28] =	ssyncadd.s32 $0xFFFFFF80  }
0x1e: {  	_ =	swait.ge [sflag:s29], $0x80  }
0x1f: {  	[sflag:s29] =	ssyncset.done $0x0  }
0x20: {  	s30 =	simm.s32 $0x3;
	[sflag:s29] =	ssyncadd.s32 $0xFFFFFF80  }
0x21: {  	_ =	swait.ge [sflag:s30], $0x80  }
0x22: {  	[sflag:s30] =	ssyncset.done $0x0  }
0x23: {  	[sflag:s30] =	ssyncadd.s32 $0xFFFFFF80  }
0x24: {  	v0 =	vld [tilespmem:$0x0]  }
0x25: {  	v1 =	vld [tilespmem:$0x80];
	_ =	sdelay $0x3  }
0x26: {  	v2 =	vlaneseq.u32  }
0x27: {  	v3 =	vld [tilespmem:$0x100];
	v4 =	vshrl.u32 v0, $0x3;
	v1 =	vshrl.u32 v1, $0x3;
	v0 =	vmul.u32 $0x10, v2  }
0x28: {  	vm0 =	vne.s32 v4, v1;
	v2 =	vadd.s32 $0x8, v4  }
0x29: {  	v5 =	vand.u32 $0x7, v4;
	v6 =	vadd.s32 v0, v4;
	v2 =	vand.u32 $0x3FFFFFF8, v2  }
0x2a: {  	vm1 =	veq.s32 v4, v1;
	v1 =	vadd.s32 v0, v1;
	v2 =	vor.u32 v5, v2  }
0x2b: {  	v2 =	vadd.s32 v0, v2  }
0x2c: {  	v36 =	vadd.f32 v3, v3  }
0x2d: {  	s31 =	simm.s32 $0x180  }
0x2e: {  	v4 =	vsel vm1, v36, v3;
	[tilespmem:v6+s31+$0x0] =	vst.idx.add.f32.msk vm0, v3  }
0x2f: {  	[tilespmem:v1+s31+$0x0] =	vst.idx.add.f32.msk $0xffff, v4  }
0x30: {  	[tilespmem:v2+s31+$0x0] =	vst.idx.add.f32.msk vm1, v3  }
0x31: {  	v1 =	vld [tilespmem:$0x10]  }
0x32: {  	v2 =	vld [tilespmem:$0x90];
	_ =	sdelay $0x4  }
0x33: {  	v3 =	vld [tilespmem:$0x110];
	v1 =	vshrl.u32 v1, $0x3;
	v2 =	vshrl.u32 v2, $0x3  }
0x34: {  	vm14 =	vne.s32 v1, v2;
	v37 =	vadd.s32 $0x8, v1  }
0x35: {  	v38 =	vand.u32 $0x7, v1;
	v39 =	vadd.s32 v0, v1;
	v4 =	vand.u32 $0x3FFFFFF8, v37  }
0x36: {  	vm15 =	veq.s32 v1, v2;
	v1 =	vadd.s32 v0, v2;
	v2 =	vor.u32 v38, v4  }
0x37: {  	v2 =	vadd.s32 v0, v2  }
0x38: {  	v40 =	vadd.f32 v3, v3;
	_ =	sdelay $0x1  }
0x39: {  	v4 =	vsel vm15, v40, v3;
	[tilespmem:v39+s31+$0x0] =	vst.idx.add.f32.msk vm14, v3  }
0x3a: {  	[tilespmem:v1+s31+$0x0] =	vst.idx.add.f32.msk $0xffff, v4  }
0x3b: {  	[tilespmem:v2+s31+$0x0] =	vst.idx.add.f32.msk vm15, v3  }
0x3c: {  	v1 =	vld [tilespmem:$0x20]  }
0x3d: {  	v2 =	vld [tilespmem:$0xA0];
	_ =	sdelay $0x4  }
0x3e: {  	v3 =	vld [tilespmem:$0x120];
	v1 =	vshrl.u32 v1, $0x3;
	v2 =	vshrl.u32 v2, $0x3  }
0x3f: {  	vm4 =	vne.s32 v1, v2;
	v41 =	vadd.s32 $0x8, v1  }
0x40: {  	v42 =	vand.u32 $0x7, v1;
	v43 =	vadd.s32 v0, v1;
	v4 =	vand.u32 $0x3FFFFFF8, v41  }
0x41: {  	vm5 =	veq.s32 v1, v2;
	v1 =	vadd.s32 v0, v2;
	v2 =	vor.u32 v42, v4  }
0x42: {  	v2 =	vadd.s32 v0, v2  }
0x43: {  	v44 =	vadd.f32 v3, v3;
	_ =	sdelay $0x1  }
0x44: {  	v4 =	vsel vm5, v44, v3;
	[tilespmem:v43+s31+$0x0] =	vst.idx.add.f32.msk vm4, v3  }
0x45: {  	[tilespmem:v1+s31+$0x0] =	vst.idx.add.f32.msk $0xffff, v4  }
0x46: {  	[tilespmem:v2+s31+$0x0] =	vst.idx.add.f32.msk vm5, v3  }
0x47: {  	v1 =	vld [tilespmem:$0x30]  }
0x48: {  	v2 =	vld [tilespmem:$0xB0];
	_ =	sdelay $0x4  }
0x49: {  	v3 =	vld [tilespmem:$0x130];
	v1 =	vshrl.u32 v1, $0x3;
	v2 =	vshrl.u32 v2, $0x3  }
0x4a: {  	vm6 =	vne.s32 v1, v2;
	v45 =	vadd.s32 $0x8, v1  }
0x4b: {  	v46 =	vand.u32 $0x7, v1;
	v47 =	vadd.s32 v0, v1;
	v4 =	vand.u32 $0x3FFFFFF8, v45  }
0x4c: {  	vm7 =	veq.s32 v1, v2;
	v1 =	vadd.s32 v0, v2;
	v2 =	vor.u32 v46, v4  }
0x4d: {  	v2 =	vadd.s32 v0, v2  }
0x4e: {  	v48 =	vadd.f32 v3, v3;
	_ =	sdelay $0x1  }
0x4f: {  	v4 =	vsel vm7, v48, v3;
	[tilespmem:v47+s31+$0x0] =	vst.idx.add.f32.msk vm6, v3  }
0x50: {  	[tilespmem:v1+s31+$0x0] =	vst.idx.add.f32.msk $0xffff, v4  }
0x51: {  	[tilespmem:v2+s31+$0x0] =	vst.idx.add.f32.msk vm7, v3  }
0x52: {  	v1 =	vld [tilespmem:$0x40]  }
0x53: {  	v2 =	vld [tilespmem:$0xC0];
	_ =	sdelay $0x4  }
0x54: {  	v3 =	vld [tilespmem:$0x140];
	v1 =	vshrl.u32 v1, $0x3;
	v2 =	vshrl.u32 v2, $0x3  }
0x55: {  	vm8 =	vne.s32 v1, v2;
	v49 =	vadd.s32 $0x8, v1  }
0x56: {  	v50 =	vand.u32 $0x7, v1;
	v51 =	vadd.s32 v0, v1;
	v4 =	vand.u32 $0x3FFFFFF8, v49  }
0x57: {  	vm9 =	veq.s32 v1, v2;
	v1 =	vadd.s32 v0, v2;
	v2 =	vor.u32 v50, v4  }
0x58: {  	v2 =	vadd.s32 v0, v2  }
0x59: {  	v52 =	vadd.f32 v3, v3;
	_ =	sdelay $0x1  }
0x5a: {  	v4 =	vsel vm9, v52, v3;
	[tilespmem:v51+s31+$0x0] =	vst.idx.add.f32.msk vm8, v3  }
0x5b: {  	[tilespmem:v1+s31+$0x0] =	vst.idx.add.f32.msk $0xffff, v4  }
0x5c: {  	[tilespmem:v2+s31+$0x0] =	vst.idx.add.f32.msk vm9, v3  }
0x5d: {  	v1 =	vld [tilespmem:$0x50]  }
0x5e: {  	v2 =	vld [tilespmem:$0xD0];
	_ =	sdelay $0x4  }
0x5f: {  	v3 =	vld [tilespmem:$0x150];
	v1 =	vshrl.u32 v1, $0x3;
	v2 =	vshrl.u32 v2, $0x3  }
0x60: {  	vm10 =	vne.s32 v1, v2;
	v53 =	vadd.s32 $0x8, v1  }
0x61: {  	v54 =	vand.u32 $0x7, v1;
	v55 =	vadd.s32 v0, v1;
	v4 =	vand.u32 $0x3FFFFFF8, v53  }
0x62: {  	vm11 =	veq.s32 v1, v2;
	v1 =	vadd.s32 v0, v2;
	v2 =	vor.u32 v54, v4  }
0x63: {  	v2 =	vadd.s32 v0, v2  }
0x64: {  	v56 =	vadd.f32 v3, v3;
	_ =	sdelay $0x1  }
0x65: {  	v4 =	vsel vm11, v56, v3;
	[tilespmem:v55+s31+$0x0] =	vst.idx.add.f32.msk vm10, v3  }
0x66: {  	[tilespmem:v1+s31+$0x0] =	vst.idx.add.f32.msk $0xffff, v4  }
0x67: {  	[tilespmem:v2+s31+$0x0] =	vst.idx.add.f32.msk vm11, v3  }
0x68: {  	v1 =	vld [tilespmem:$0x60]  }
0x69: {  	v2 =	vld [tilespmem:$0xE0];
	_ =	sdelay $0x4  }
0x6a: {  	v3 =	vld [tilespmem:$0x160];
	v1 =	vshrl.u32 v1, $0x3;
	v2 =	vshrl.u32 v2, $0x3  }
0x6b: {  	vm12 =	vne.s32 v1, v2;
	v57 =	vadd.s32 $0x8, v1  }
0x6c: {  	v58 =	vand.u32 $0x7, v1;
	v59 =	vadd.s32 v0, v1;
	v4 =	vand.u32 $0x3FFFFFF8, v57  }
0x6d: {  	vm13 =	veq.s32 v1, v2;
	v1 =	vadd.s32 v0, v2;
	v2 =	vor.u32 v58, v4  }
0x6e: {  	v2 =	vadd.s32 v0, v2  }
0x6f: {  	v60 =	vadd.f32 v3, v3;
	_ =	sdelay $0x1  }
0x70: {  	v4 =	vsel vm13, v60, v3;
	[tilespmem:v59+s31+$0x0] =	vst.idx.add.f32.msk vm12, v3  }
0x71: {  	[tilespmem:v1+s31+$0x0] =	vst.idx.add.f32.msk $0xffff, v4  }
0x72: {  	[tilespmem:v2+s31+$0x0] =	vst.idx.add.f32.msk vm13, v3  }
0x73: {  	v1 =	vld [tilespmem:$0x70]  }
0x74: {  	v2 =	vld [tilespmem:$0xF0];
	_ =	sdelay $0x4  }
0x75: {  	v3 =	vld [tilespmem:$0x170];
	v1 =	vshrl.u32 v1, $0x3;
	v2 =	vshrl.u32 v2, $0x3  }
0x76: {  	vm14 =	vne.s32 v1, v2;
	v61 =	vadd.s32 $0x8, v1  }
0x77: {  	v62 =	vand.u32 $0x7, v1;
	v63 =	vadd.s32 v0, v1;
	v4 =	vand.u32 $0x3FFFFFF8, v61  }
0x78: {  	vm15 =	veq.s32 v1, v2;
	v1 =	vadd.s32 v0, v2;
	v2 =	vor.u32 v62, v4  }
0x79: {  	v0 =	vadd.s32 v0, v2  }
0x7a: {  	v2 =	vadd.f32 v3, v3;
	_ =	sdelay $0x1  }
0x7b: {  	v2 =	vsel vm15, v2, v3;
	[tilespmem:v63+s31+$0x0] =	vst.idx.add.f32.msk vm14, v3  }
0x7c: {  	[tilespmem:v1+s31+$0x0] =	vst.idx.add.f32.msk $0xffff, v2  }
0x7d: {  	[tilespmem:v0+s31+$0x0] =	vst.idx.add.f32.msk vm15, v3  }
0x7e: {  	v0 =	vld [tilespmem:$0x180];
	_ =	sdelay $0x1  }
0x7f: {  	v1 =	vld [tilespmem:$0x190];
	_ =	sdelay $0x1  }
0x80: {  	v2 =	vld [tilespmem:$0x1A0]  }
0x81: {  	v0 =	vadd.f32 $0.0e+00, v0  }
0x82: {  	v3 =	vld [tilespmem:$0x1B0]  }
0x83: {  	v0 =	vadd.f32 v1, v0  }
0x84: {  	v1 =	vld [tilespmem:$0x1C0]  }
0x85: {  	v0 =	vadd.f32 v2, v0  }
0x86: {  	v2 =	vld [tilespmem:$0x1D0]  }
0x87: {  	v0 =	vadd.f32 v3, v0  }
0x88: {  	v3 =	vld [tilespmem:$0x1E0]  }
0x89: {  	v0 =	vadd.f32 v1, v0  }
0x8a: {  	v1 =	vld [tilespmem:$0x1F0]  }
0x8b: {  	v0 =	vadd.f32 v2, v0  }
0x8c: {  	v2 =	vld [tilespmem:$0x200]  }
0x8d: {  	v0 =	vadd.f32 v3, v0  }
0x8e: {  	v3 =	vld [tilespmem:$0x210]  }
0x8f: {  	v0 =	vadd.f32 v1, v0  }
0x90: {  	v1 =	vld [tilespmem:$0x220]  }
0x91: {  	v0 =	vadd.f32 v2, v0  }
0x92: {  	v2 =	vld [tilespmem:$0x230]  }
0x93: {  	v0 =	vadd.f32 v3, v0  }
0x94: {  	v3 =	vld [tilespmem:$0x240]  }
0x95: {  	v0 =	vadd.f32 v1, v0  }
0x96: {  	v1 =	vld [tilespmem:$0x250]  }
0x97: {  	v0 =	vadd.f32 v2, v0  }
0x98: {  	v2 =	vld [tilespmem:$0x260]  }
0x99: {  	v0 =	vadd.f32 v3, v0  }
0x9a: {  	v3 =	vld [tilespmem:$0x270]  }
0x9b: {  	v0 =	vadd.f32 v1, v0  }
0x9c: {  	p0 =	seq.s32 s1, $0x0  }
.Ltmp0:
0x9d: {  	v0 =	vadd.f32 v2, v0;
	(pc) =	sbr.rel @p0 .LBB2_2-.Ltmp0, $3  }
0x9e: {  	_ = 	snop  }
0x9f: {  	v0 =	vadd.f32 v3, v0;
	_ =	sdelay $0x1  }
0xa0: {  	s4 =	sadd.s32 $0xA00, s4;
	[tilespmem:$0x280] =	vst v0  }
0xa1: {  	s3 =	sshll.u32 s1, $0x1  }
0xa2: {  	s30 =	simm.s32 $0x280;
	s31 =	simm.s32 $0x4;
	s3 =	sadd.s32 s4, s3  }
0xa3: {  	[hbm4b:s3+s2] =	stream.linear.scatter [tilespmem:s30], [sflag:$0x4], $0x10, $0x38;
	[tilespmem:$0x390] =	vst v63  }
.Ltmp1:
0xa4: {  	_ =	swait.ge [sflag:s31], $0x10;
	(pc) =	sbr.rel .LBB2_3-.Ltmp1, $3  }
0xa5: {  	[sflag:s31] =	ssyncset.done $0x0  }
0xa6: {  	[sflag:s31] =	ssyncadd.s32 $0xFFFFFFF0  }
0xa7: {  	[bflag:$0x0] =	sbarrier.arrive $0xFFFF;
	_ =	sdelay $0x1  }
.LBB2_2:
0xa8: {  	s4 =	sadd.s32 $0x2, s4  }
0xa9: {  	[bflag:$0x0] =	sbarrier.arrive $0xFFFF;
	s5 =	simm.s32 $0x290;
	s28 =	simm.s32 $0x4  }
0xaa: {  	[tilespmem:s5], [sflag:$0x4] =	stream.linear.gather [hbm4b:s4+s2], $0xF0, $0x38;
	[tilespmem:$0x390] =	vst v63  }
0xab: {  	_ =	swait.ge [sflag:s28], $0xF0  }
0xac: {  	[sflag:s28] =	ssyncset.done $0x0  }
0xad: {  	[sflag:s28] =	ssyncadd.s32 $0xFFFFFF10  }
0xae: {  	v1 =	vld [tilespmem:$0x290];
	_ =	sdelay $0x1  }
0xaf: {  	v2 =	vld [tilespmem:$0x2A0];
	_ =	sdelay $0x1  }
0xb0: {  	v3 =	vld [tilespmem:$0x2B0]  }
0xb1: {  	v0 =	vadd.f32 v1, v0  }
0xb2: {  	v49 =	vld [tilespmem:$0x2C0]  }
0xb3: {  	v0 =	vadd.f32 v2, v0  }
0xb4: {  	v50 =	vld [tilespmem:$0x2D0]  }
0xb5: {  	v0 =	vadd.f32 v3, v0  }
0xb6: {  	v51 =	vld [tilespmem:$0x2E0]  }
0xb7: {  	v0 =	vadd.f32 v49, v0  }
0xb8: {  	v52 =	vld [tilespmem:$0x2F0]  }
0xb9: {  	v0 =	vadd.f32 v50, v0  }
0xba: {  	v53 =	vld [tilespmem:$0x300]  }
0xbb: {  	v0 =	vadd.f32 v51, v0  }
0xbc: {  	v54 =	vld [tilespmem:$0x310]  }
0xbd: {  	v0 =	vadd.f32 v52, v0  }
0xbe: {  	v55 =	vld [tilespmem:$0x320]  }
0xbf: {  	v0 =	vadd.f32 v53, v0  }
0xc0: {  	v56 =	vld [tilespmem:$0x330]  }
0xc1: {  	v0 =	vadd.f32 v54, v0  }
0xc2: {  	v57 =	vld [tilespmem:$0x340]  }
0xc3: {  	v0 =	vadd.f32 v55, v0  }
0xc4: {  	v58 =	vld [tilespmem:$0x350]  }
0xc5: {  	v0 =	vadd.f32 v56, v0  }
0xc6: {  	v4 =	vimm.s32 $0xFEDCBA98;
	v59 =	vld [tilespmem:$0x360]  }
0xc7: {  	v60 =	vimm.s32 $0x76543210;
	v4 =	vunpack.c.l.s4.s8 v4;
	v0 =	vadd.f32 v57, v0  }
0xc8: {  	v5 =	vld [tilespmem:$0x370];
	v3 =	vunpack.c.l.s4.s8 v60  }
0xc9: {  	v61 =	vunpack.c.0.s8.s32 v4;
	v0 =	vadd.f32 v58, v0  }
0xca: {  	v3 =	vunpack.c.0.s8.s32 v3  }
0xcb: {  	v1 =	vand.u32 $0xF, v61;
	v0 =	vadd.f32 v59, v0  }
0xcc: {  	v1 =	vcombine.low v1, v3  }
0xcd: {  	v0 =	vadd.f32 v5, v0;
	_ =	sdelay $0x1  }
0xce: {  	(erf) = vrcp.f32 v0;
	_ =	sdelay $0x1  }
0xcf: {  	s29 =	simm.s32 $0x380;
	[tilespmem:$0x380] =	vst v0  }
0xd0: {  	v0 =	vld.idx.msk [tilespmem:v1+s29+$0x0], $0xffff;
	_ =	sdelay $0x4  }
0xd1: {  	v0 =	vadd.f32 v0, v0  }
0xd2: {  	v62 =	vpop (erf)  }
0xd3: {  	v0 =	vmul.f32 v0, v62  }
0xd4: {  	vm0 =	vmmov $0xff  }
0xd5: {  	v0 =	vnsel vm0, $0x0, v0  }
0xd6: {  	(xrf2) =	vadd.scan.msk.f32 $0xffff, v0;
	_ =	sdelay $0x9  }
0xd7: {  	v0, _, _ =	vpop (xrf2)  }
0xd8: {  	(v2sf) =	vpush v0, $0xF;
	_ =	sdelay $0xe  }
0xd9: {  	s30 =	spop (v2sf)  }
0xda: {  	s5 =	smul.f32 $-1.250000000e-01, s30;
	_ =	sdelay $0x1  }
0xdb: {  	s5 =	sadd.f32 $1.000000000e+00, s5;
	_ =	sdelay $0x1  }
0xdc: {  	vm15 =	vcmask $0x300;
	v63 =	vmov s5  }
0xdd: {  	v0 =	vnsel vm15, $0x0, v63  }
0xde: {  	s31 =	simm.s32 $0x280;
	[tilespmem:$0x280] =	vst v0  }
0xdf: {  	[hbm4b:s3+s2] =	stream.linear.scatter [tilespmem:s31], [sflag:$0x4], $0x1, $0x38;
	[tilespmem:$0x390] =	vst v63  }
0xe0: {  	_ =	swait.ge [sflag:s28], $0x1  }
0xe1: {  	[sflag:s28] =	ssyncset.done $0x0  }
0xe2: {  	[sflag:s28] =	ssyncadd.s32 $0xFFFFFFFF  }
.LBB2_3:
0xe3: {  	_ =	sfence.sel $0x180000  }
0xe4: {  	[bflag:$0x0] =	sbarrier.arrive $0xFFFF  }
0xe5: {  	p0 =	sne.s32 s1, $0x0;
	_ =	strace $0x90000047  }
0xe6: {  	s0 =	sadd.s32 @!p0 $0x100000, s0;
	[bflag:$0x2] =	sbarrier.arrive $0xFFFF  }
0xe7: {  	[sflag:s0] =	ssyncadd.tile.s32 @!p0 $0x1;
	_ =	shalt  }
.Lfunc_end2:
_tile_overlayer_lowered:
.L_overlay_start_2:
0xe8: {  	(tag) =	ssettag $0x2  }
0xe9: {  	s0 =	rddreg [dreg:$0x0];
	s2 =	stileid.u32  }
0xea: {  	s1 =	rddreg [dreg:$0x1];
	p0 =	sne.s32 s2, $0x0  }
0xeb: {  	s3 =	rddreg [dreg:$0x2];
	[bflag:$0x3] =	sbarrier.arrive $0xFFFF;
	s2 =	simm.s32 @!p0 $0x1C04  }
0xec: {  	[timem:s3], [sflag:s2] =	dma.local @!p0 [hbm:s0], s1  }
0xed: {  	s0 =	simm.s32 @!p0 $0x4  }
0xee: {  	_ =	swait.ge @!p0 [sflag:s0], s1  }
0xef: {  	s1 =	ssub.s32 @!p0 $0x0, s1;
	[sflag:s0] =	ssyncset.done @!p0 $0x0  }
0xf0: {  	[sflag:s0] =	ssyncadd.s32 @!p0 s1  }
0xf1: {  	[bflag:$0x3] =	sbarrier.arrive $0xFFFF  }
0xf2: {  	_ =	shalt  }

</sc_bundles>
